<compile_context>
chip_gen: v7x
topology: tpu7x:2x2x1
jax: 0.10.2.dev20260603
libtpu: 0.0.44.dev20260713+nightly
codegen_flags: <defaults>
</compile_context>

<pallas_src>
import functools

import jax
import jax.numpy as jnp
from jax import lax
from jax.experimental import pallas as pl
from jax.experimental.pallas import tpu as pltpu
from jax.experimental.pallas import tpu_sc as plsc

N = 10000
NP = 10240
NSTEPS_ROW = 160
E = 320000
D = 128
NC, NS = 2, 16
NW = NC * NS
C = 128
NCHUNK = E // C
ITERS = -(-NCHUNK // NW)
DW = 16


def _gather_sc(x_attr3, col_i32):
    mesh = plsc.VectorSubcoreMesh(
        core_axis_name="c", subcore_axis_name="s",
        num_cores=NC, num_subcores=NS)

    @functools.partial(
        pl.kernel,
        out_type=jax.ShapeDtypeStruct((E, 1, D), jnp.float32),
        mesh=mesh,
        scratch_types=[
            pltpu.VMEM((C,), jnp.int32),
            pltpu.VMEM((C, 1, D), jnp.float32),
            pltpu.SemaphoreType.DMA,
        ],
    )
    def g(x_hbm, col_hbm, out_hbm, colv, gbuf, sem):
        cid = lax.axis_index("c")
        sid = lax.axis_index("s")
        wid = sid * NC + cid

        def body(it, carry):
            cidx = it * NW + wid

            @pl.when(cidx < NCHUNK)
            def _():
                e0 = cidx * C
                pltpu.sync_copy(col_hbm.at[pl.ds(e0, C)], colv)
                pltpu.async_copy(x_hbm.at[colv], gbuf, sem).wait()
                pltpu.sync_copy(gbuf, out_hbm.at[pl.ds(e0, C)])

            return carry

        lax.fori_loop(0, ITERS, body, 0)

    return g(x_attr3, col_i32)


def _segsum_tc(g2, row2, x_news_pad, w1a, w1b, b1, w2, b2):
    EB = 2000
    NSTEP = E // EB

    U = 4

    def body(row_ref, g_ref, x_ref, w1a_ref, w1b_ref, b1_ref, w2_ref, b2_ref,
             o_ref, *scratch):
        accs = scratch[:U]
        dacc = scratch[U]
        step = pl.program_id(0)

        @pl.when(step == 0)
        def _():
            for u in range(U):
                accs[u][...] = jnp.zeros_like(accs[u])
            dacc[...] = jnp.zeros_like(dacc)

        def upd(i, carry):
            for u in range(U):
                e = i * U + u
                r = row_ref[0, 0, e]
                accs[u][pl.ds(r, 1), :] += g_ref[pl.ds(e, 1), :]
                dacc[pl.ds(r, 1), :] += 1.0
            return carry

        lax.fori_loop(0, EB // U, upd, 0)

        @pl.when(step == NSTEP - 1)
        def _():
            acc_t = ((accs[0][...] + accs[1][...])
                     + (accs[2][...] + accs[3][...]))
            deg_t = dacc[:, 0:1]
            agr = acc_t / (deg_t + 1e-8)
            h = jnp.tanh(
                jnp.dot(x_ref[...], w1a_ref[...],
                        preferred_element_type=jnp.float32)
                + jnp.dot(agr, w1b_ref[...],
                          preferred_element_type=jnp.float32)
                + b1_ref[...])
            o_ref[...] = (
                jnp.dot(h, w2_ref[...], preferred_element_type=jnp.float32)
                + b2_ref[...])

    return pl.pallas_call(
        body,
        grid=(NSTEP,),
        in_specs=[
            pl.BlockSpec((1, 1, EB), lambda i: (i, 0, 0),
                         memory_space=pltpu.SMEM),
            pl.BlockSpec((EB, D), lambda i: (i, 0)),
            pl.BlockSpec((NP, D), lambda i: (0, 0)),
            pl.BlockSpec((D, D), lambda i: (0, 0)),
            pl.BlockSpec((D, D), lambda i: (0, 0)),
            pl.BlockSpec((1, D), lambda i: (0, 0)),
            pl.BlockSpec((D, D), lambda i: (0, 0)),
            pl.BlockSpec((1, D), lambda i: (0, 0)),
        ],
        out_specs=pl.BlockSpec((NP, D), lambda i: (0, 0)),
        out_shape=jax.ShapeDtypeStruct((NP, D), jnp.float32),
        scratch_shapes=(
            [pltpu.VMEM((NP, D), jnp.float32)] * 4
            + [pltpu.VMEM((NP, DW), jnp.float32)]
        ),
    )(row2, g2, x_news_pad, w1a, w1b, b1, w2, b2)


def kernel(x_news, x_attr, edge_index, W1, b1, W2, b2):
    row = edge_index[0].astype(jnp.int32)
    col = edge_index[1].astype(jnp.int32)
    g = _gather_sc(x_attr[:, None, :], col)
    g2 = g.reshape(E, D)
    x_news_pad = jnp.pad(x_news, ((0, NP - N), (0, 0)))
    out_pad = _segsum_tc(g2, row.reshape(NSTEPS_ROW, 1, -1), x_news_pad,
                         W1[:D], W1[D:], b1[None, :], W2, b2[None, :])
    return out_pad[:N]

# --- scband reference (transcript-rebuilt; emitter-appended) ---
"""Pipeline reference for scband-news-conv-71502615544009 (READ-ONLY COPY).

The authoritative reference and input builder live on the scoring server;
editing this copy changes nothing except your own understanding.
"""

import jax, jax.numpy as jnp
import numpy as np

N_NODES = 10000
N_EDGES = 320000
D_FEAT = 128
IN_CH = 256
HID_CH = 128
OUT_CH = 128


def setup_inputs(seed: int = 0) -> dict:
    key = jax.random.key(seed)
    k1, k2, k3, k4, k5, k6, k7 = jax.random.split(key, 7)
    x_news = jax.random.normal(k1, (N_NODES, D_FEAT), dtype=jnp.float32)
    x_attr = jax.random.normal(k2, (N_NODES, D_FEAT), dtype=jnp.float32)
    edge_index = jax.random.randint(k3, (2, N_EDGES), 0, N_NODES, dtype=jnp.int64)
    lim1 = 1.0 / np.sqrt(IN_CH)
    W1 = jax.random.uniform(k4, (IN_CH, HID_CH), minval=-lim1, maxval=lim1, dtype=jnp.float32)
    b1 = jax.random.uniform(k5, (HID_CH,), minval=-lim1, maxval=lim1, dtype=jnp.float32)
    lim2 = 1.0 / np.sqrt(HID_CH)
    W2 = jax.random.uniform(k6, (HID_CH, OUT_CH), minval=-lim2, maxval=lim2, dtype=jnp.float32)
    b2 = jax.random.uniform(k7, (OUT_CH,), minval=-lim2, maxval=lim2, dtype=jnp.float32)
    return {"x_news": x_news, "x_attr": x_attr, "edge_index": edge_index,
            "W1": W1, "b1": b1, "W2": W2, "b2": b2}


def reference(x_news, x_attr, edge_index, W1, b1, W2, b2):
    # edge_index[0] = row (destination 'news' node), edge_index[1] = col (source 'attr' node)
    row = edge_index[0]
    col = edge_index[1]
    n = x_news.shape[0]
    # n_neighbors = degree(row, num_nodes=n)
    deg = jax.ops.segment_sum(jnp.ones(row.shape[0], dtype=jnp.float32), row, num_segments=n)
    # agr_feats = A @ x_attr  (sparse adjacency matmul == gather + scatter-add)
    agr = jax.ops.segment_sum(x_attr[col], row, num_segments=n)
    agr = agr / (deg[:, None] + 1e-08)
    out = jnp.concatenate((x_news, agr), axis=1)
    # MLP: lin1 -> tanh -> lin2
    h = jnp.tanh(out @ W1 + b1)
    return h @ W2 + b2

if __name__ == "__main__":
    import jax
    _d = setup_inputs()
    print(jax.jit(kernel)(*tuple(_d.values())))

</pallas_src>

<mosaic_0001>
#map = affine_map<(d0, d1) -> (0, 0, 0)>
#map1 = affine_map<(d0, d1) -> (0)>
module attributes {stable_mosaic.version = 14 : i64} {
  func.func @g(%arg0: i32, %arg1: i32, %arg2: memref<10000x1x128xf32, #tpu.memory_space<hbm>>, %arg3: memref<320000xi32, #tpu.memory_space<hbm>>, %arg4: memref<320000x1x128xf32, #tpu.memory_space<hbm>>, %arg5: memref<128xi32, #tpu.memory_space<vmem>>, %arg6: memref<128x1x128xf32, #tpu.memory_space<vmem>>, %arg7: memref<!tpu.dma_semaphore, #tpu.memory_space<semaphore_mem>>) attributes {dimension_semantics = [#tpu.dimension_semantics<core_parallel>, #tpu.dimension_semantics<subcore_parallel>], iteration_bounds = array<i64: 2, 16>, scalar_prefetch = 0 : i64, scratch_operands = 3 : i64, tpu.core_type = #tpu.core_type<sc_vector_subcore>, window_params = [{transform_indices = #map}, {transform_indices = #map1}, {transform_indices = #map}]} {
    %mul3A = arith.constant 2 : i32
    %mul3A_0 = arith.muli %arg1, %mul3A : i32
    %add3A = arith.addi %mul3A_0, %arg0 : i32
    %scan3A = arith.constant 0 : i32
    %scan3A_1 = arith.constant 0 : i32
    %scan3A_2 = arith.constant 79 : i32
    %scan3A_3 = arith.addi %scan3A_1, %scan3A_2 : i32
    %scan3A_4 = arith.constant 1 : i32
    scf.for %scan3A_6 = %scan3A_1 to %scan3A_3 step %scan3A_4  : i32 {
      %mul3A_7 = arith.constant 32 : i32
      %mul3A_8 = arith.muli %scan3A_6, %mul3A_7 : i32
      %add3A_9 = arith.addi %mul3A_8, %add3A : i32
      %lt3A = arith.constant 2500 : i32
      %lt3A_10 = arith.cmpi slt, %add3A_9, %lt3A : i32
      %convert_element_type3A = arith.extui %lt3A_10 : i1 to i32
      %cond3A = arith.constant 0 : i32
      %cond3A_11 = arith.cmpi ne, %convert_element_type3A, %cond3A : i32
      scf.if %cond3A_11 {
        %mul3A_12 = arith.constant 128 : i32
        %mul3A_13 = arith.muli %add3A_9, %mul3A_12 : i32
        "tpu.region"() ({
          %run_scoped3A = tpu.sem_alloc : memref<!tpu.dma_semaphore, #tpu.memory_space<semaphore_mem>>
          %dma_start3A_20 = tpu.memref_slice %arg3[%mul3A_13] : memref<320000xi32, #tpu.memory_space<hbm>> -> memref<128xi32, #tpu.memory_space<hbm>>
          %dma_start3A_21 = tpu.memref_slice %arg3[%mul3A_13] : memref<320000xi32, #tpu.memory_space<hbm>> -> memref<128xi32, #tpu.memory_space<hbm>>
          tpu.enqueue_dma source(%dma_start3A_21 : memref<128xi32, #tpu.memory_space<hbm>>) target(%arg5 : memref<128xi32, #tpu.memory_space<vmem>>) target_semaphore(%run_scoped3A : memref<!tpu.dma_semaphore, #tpu.memory_space<semaphore_mem>>)
          %dma_wait3A_22 = tpu.memref_slice %arg3[%mul3A_13] : memref<320000xi32, #tpu.memory_space<hbm>> -> memref<128xi32, #tpu.memory_space<hbm>>
          %dma_wait3A_23 = tpu.memref_slice %arg3[%mul3A_13] : memref<320000xi32, #tpu.memory_space<hbm>> -> memref<128xi32, #tpu.memory_space<hbm>>
          tpu.wait_dma2 semaphore(%run_scoped3A : memref<!tpu.dma_semaphore, #tpu.memory_space<semaphore_mem>>) src(%dma_wait3A_23 : memref<128xi32, #tpu.memory_space<hbm>>) dst(%arg5 : memref<128xi32, #tpu.memory_space<vmem>>)
          tpu.yield
        }) : () -> ()
        %dma_start3A = arith.constant 0 : i32
        %dma_start3A_14 = arith.constant 0 : i32
        %dma_start3A_15 = arith.constant 0 : i32
        %dma_start3A_16 = tpu.memref_slice %arg2[%dma_start3A, %dma_start3A_14, %dma_start3A_15] : memref<10000x1x128xf32, #tpu.memory_space<hbm>> -> memref<10000x1x128xf32, #tpu.memory_space<hbm>>
        tpu.enqueue_indirect_dma source(%dma_start3A_16 : memref<10000x1x128xf32, #tpu.memory_space<hbm>>) target(%arg6 : memref<128x1x128xf32, #tpu.memory_space<vmem>>) offsets(%arg5 : memref<128xi32, #tpu.memory_space<vmem>>) semaphore(%arg7 : memref<!tpu.dma_semaphore, #tpu.memory_space<semaphore_mem>>)
        %dma_wait3A = arith.constant 0 : i32
        %dma_wait3A_17 = arith.constant 0 : i32
        %dma_wait3A_18 = arith.constant 0 : i32
        %dma_wait3A_19 = tpu.memref_slice %arg2[%dma_wait3A, %dma_wait3A_17, %dma_wait3A_18] : memref<10000x1x128xf32, #tpu.memory_space<hbm>> -> memref<10000x1x128xf32, #tpu.memory_space<hbm>>
        tpu.wait_indirect_dma semaphore(%arg7 : memref<!tpu.dma_semaphore, #tpu.memory_space<semaphore_mem>>) src(%dma_wait3A_19 : memref<10000x1x128xf32, #tpu.memory_space<hbm>>) dst(%arg6 : memref<128x1x128xf32, #tpu.memory_space<vmem>>)
        "tpu.region"() ({
          %run_scoped3A = tpu.sem_alloc : memref<!tpu.dma_semaphore, #tpu.memory_space<semaphore_mem>>
          %dma_start3A_20 = arith.constant 0 : i32
          %dma_start3A_21 = arith.constant 0 : i32
          %dma_start3A_22 = tpu.memref_slice %arg4[%mul3A_13, %dma_start3A_20, %dma_start3A_21] : memref<320000x1x128xf32, #tpu.memory_space<hbm>> -> memref<128x1x128xf32, #tpu.memory_space<hbm>>
          %dma_start3A_23 = arith.constant 0 : i32
          %dma_start3A_24 = arith.constant 0 : i32
          %dma_start3A_25 = tpu.memref_slice %arg4[%mul3A_13, %dma_start3A_23, %dma_start3A_24] : memref<320000x1x128xf32, #tpu.memory_space<hbm>> -> memref<128x1x128xf32, #tpu.memory_space<hbm>>
          tpu.enqueue_dma source(%arg6 : memref<128x1x128xf32, #tpu.memory_space<vmem>>) target(%dma_start3A_25 : memref<128x1x128xf32, #tpu.memory_space<hbm>>) target_semaphore(%run_scoped3A : memref<!tpu.dma_semaphore, #tpu.memory_space<semaphore_mem>>)
          %dma_wait3A_26 = arith.constant 0 : i32
          %dma_wait3A_27 = arith.constant 0 : i32
          %dma_wait3A_28 = tpu.memref_slice %arg4[%mul3A_13, %dma_wait3A_26, %dma_wait3A_27] : memref<320000x1x128xf32, #tpu.memory_space<hbm>> -> memref<128x1x128xf32, #tpu.memory_space<hbm>>
          %dma_wait3A_29 = arith.constant 0 : i32
          %dma_wait3A_30 = arith.constant 0 : i32
          %dma_wait3A_31 = tpu.memref_slice %arg4[%mul3A_13, %dma_wait3A_29, %dma_wait3A_30] : memref<320000x1x128xf32, #tpu.memory_space<hbm>> -> memref<128x1x128xf32, #tpu.memory_space<hbm>>
          tpu.wait_dma2 semaphore(%run_scoped3A : memref<!tpu.dma_semaphore, #tpu.memory_space<semaphore_mem>>) src(%arg6 : memref<128x1x128xf32, #tpu.memory_space<vmem>>) dst(%dma_wait3A_31 : memref<128x1x128xf32, #tpu.memory_space<hbm>>)
          tpu.yield
        }) : () -> ()
      } else {
      }
    }
    %scan3A_5 = arith.constant 79 : i32
    return
  }
}

module attributes {stable_mosaic.version = 14 : i64} {
  func.func @body(%arg0: i32, %arg1: memref<1x1x2000xi32, #tpu.memory_space<smem>>, %arg2: memref<2000x128xf32, #tpu.memory_space<vmem>>, %arg3: memref<10240x128xf32, #tpu.memory_space<vmem>>, %arg4: memref<128x128xf32, #tpu.memory_space<vmem>>, %arg5: memref<128x128xf32, #tpu.memory_space<vmem>>, %arg6: memref<1x128xf32, #tpu.memory_space<vmem>>, %arg7: memref<128x128xf32, #tpu.memory_space<vmem>>, %arg8: memref<1x128xf32, #tpu.memory_space<vmem>>, %arg9: memref<10240x128xf32, #tpu.memory_space<vmem>>, %arg10: memref<10240x128xf32, #tpu.memory_space<vmem>>, %arg11: memref<10240x128xf32, #tpu.memory_space<vmem>>, %arg12: memref<10240x128xf32, #tpu.memory_space<vmem>>, %arg13: memref<10240x128xf32, #tpu.memory_space<vmem>>, %arg14: memref<10240x16xf32, #tpu.memory_space<vmem>>) attributes {dimension_semantics = [#tpu.dimension_semantics<arbitrary>], iteration_bounds = array<i64: 160>, scalar_prefetch = 0 : i64, scratch_operands = 5 : i64, tpu.core_type = #tpu.core_type<tc>, window_params = [{transform_indices = @transform_0, window_bounds = array<i64: 1, 1, 2000>}, {transform_indices = @transform_1, window_bounds = array<i64: 2000, 128>}, {pipeline_mode = #tpu.pipeline_mode<synchronous>, transform_indices = @transform_2, window_bounds = array<i64: 10240, 128>}, {pipeline_mode = #tpu.pipeline_mode<synchronous>, transform_indices = @transform_3, window_bounds = array<i64: 128, 128>}, {pipeline_mode = #tpu.pipeline_mode<synchronous>, transform_indices = @transform_4, window_bounds = array<i64: 128, 128>}, {pipeline_mode = #tpu.pipeline_mode<synchronous>, transform_indices = @transform_5, window_bounds = array<i64: 1, 128>}, {pipeline_mode = #tpu.pipeline_mode<synchronous>, transform_indices = @transform_6, window_bounds = array<i64: 128, 128>}, {pipeline_mode = #tpu.pipeline_mode<synchronous>, transform_indices = @transform_7, window_bounds = array<i64: 1, 128>}, {pipeline_mode = #tpu.pipeline_mode<synchronous>, transform_indices = @transform_8, window_bounds = array<i64: 10240, 128>}]} {
    %eq3A = arith.constant 0 : i32
    %eq3A_0 = arith.cmpi eq, %arg0, %eq3A : i32
    %convert_element_type3A = arith.extui %eq3A_0 : i1 to i32
    %cond3A = arith.constant 0 : i32
    %cond3A_1 = arith.cmpi ne, %convert_element_type3A, %cond3A : i32
    scf.if %cond3A_1 {
      %broadcast_in_dim3A = arith.constant 0.000000e+00 : f32
      %broadcast_in_dim3A_11 = vector.broadcast %broadcast_in_dim3A : f32 to vector<10240x128xf32>
      %swap3A = arith.constant 0 : index
      %swap3A_12 = arith.constant 0 : index
      %swap3A_13 = vector.load %arg10[%swap3A, %swap3A_12] : memref<10240x128xf32, #tpu.memory_space<vmem>>, vector<10240x128xf32>
      tpu.vector_store %arg10[%swap3A, %swap3A_12], %broadcast_in_dim3A_11 {strides = array<i32>} : memref<10240x128xf32, #tpu.memory_space<vmem>>, vector<10240x128xf32>,
      %broadcast_in_dim3A_14 = arith.constant 0.000000e+00 : f32
      %broadcast_in_dim3A_15 = vector.broadcast %broadcast_in_dim3A_14 : f32 to vector<10240x128xf32>
      %swap3A_16 = arith.constant 0 : index
      %swap3A_17 = arith.constant 0 : index
      %swap3A_18 = vector.load %arg11[%swap3A_16, %swap3A_17] : memref<10240x128xf32, #tpu.memory_space<vmem>>, vector<10240x128xf32>
      tpu.vector_store %arg11[%swap3A_16, %swap3A_17], %broadcast_in_dim3A_15 {strides = array<i32>} : memref<10240x128xf32, #tpu.memory_space<vmem>>, vector<10240x128xf32>,
      %broadcast_in_dim3A_19 = arith.constant 0.000000e+00 : f32
      %broadcast_in_dim3A_20 = vector.broadcast %broadcast_in_dim3A_19 : f32 to vector<10240x128xf32>
      %swap3A_21 = arith.constant 0 : index
      %swap3A_22 = arith.constant 0 : index
      %swap3A_23 = vector.load %arg12[%swap3A_21, %swap3A_22] : memref<10240x128xf32, #tpu.memory_space<vmem>>, vector<10240x128xf32>
      tpu.vector_store %arg12[%swap3A_21, %swap3A_22], %broadcast_in_dim3A_20 {strides = array<i32>} : memref<10240x128xf32, #tpu.memory_space<vmem>>, vector<10240x128xf32>,
      %broadcast_in_dim3A_24 = arith.constant 0.000000e+00 : f32
      %broadcast_in_dim3A_25 = vector.broadcast %broadcast_in_dim3A_24 : f32 to vector<10240x128xf32>
      %swap3A_26 = arith.constant 0 : index
      %swap3A_27 = arith.constant 0 : index
      %swap3A_28 = vector.load %arg13[%swap3A_26, %swap3A_27] : memref<10240x128xf32, #tpu.memory_space<vmem>>, vector<10240x128xf32>
      tpu.vector_store %arg13[%swap3A_26, %swap3A_27], %broadcast_in_dim3A_25 {strides = array<i32>} : memref<10240x128xf32, #tpu.memory_space<vmem>>, vector<10240x128xf32>,
      %broadcast_in_dim3A_29 = arith.constant 0.000000e+00 : f32
      %broadcast_in_dim3A_30 = vector.broadcast %broadcast_in_dim3A_29 : f32 to vector<10240x16xf32>
      %swap3A_31 = arith.constant 0 : index
      %swap3A_32 = arith.constant 0 : index
      %swap3A_33 = vector.load %arg14[%swap3A_31, %swap3A_32] : memref<10240x16xf32, #tpu.memory_space<vmem>>, vector<10240x16xf32>
      tpu.vector_store %arg14[%swap3A_31, %swap3A_32], %broadcast_in_dim3A_30 {strides = array<i32>} : memref<10240x16xf32, #tpu.memory_space<vmem>>, vector<10240x16xf32>,
    } else {
    }
    %scan3A = arith.constant 0 : i32
    %scan3A_2 = arith.constant 500 : i32
    %scan3A_3 = arith.addi %scan3A, %scan3A_2 : i32
    %scan3A_4 = arith.constant 1 : i32
    scf.for %scan3A_11 = %scan3A to %scan3A_3 step %scan3A_4  : i32 {
      %mul3A = arith.constant 4 : i32
      %mul3A_12 = arith.muli %scan3A_11, %mul3A : i32
      %add3A = arith.constant 0 : i32
      %add3A_13 = arith.addi %mul3A_12, %add3A : i32
      %get3A = arith.constant 0 : index
      %get3A_14 = arith.constant 0 : index
      %get3A_15 = arith.index_cast %add3A_13 : i32 to index
      %get3A_16 = memref.load %arg1[%get3A, %get3A_14, %get3A_15] : memref<1x1x2000xi32, #tpu.memory_space<smem>>
      %get3A_17 = arith.index_cast %get3A_16 : i32 to index
      %get3A_18 = arith.constant 0 : index
      %get3A_19 = vector.load %arg10[%get3A_17, %get3A_18] : memref<10240x128xf32, #tpu.memory_space<vmem>>, vector<1x128xf32>
      %get3A_20 = arith.index_cast %add3A_13 : i32 to index
      %get3A_21 = arith.constant 0 : index
      %get3A_22 = vector.load %arg2[%get3A_20, %get3A_21] : memref<2000x128xf32, #tpu.memory_space<vmem>>, vector<1x128xf32>
      %add3A_23 = arith.addf %get3A_19, %get3A_22 : vector<1x128xf32>
      %swap3A = arith.index_cast %get3A_16 : i32 to index
      %swap3A_24 = arith.constant 0 : index
      %swap3A_25 = vector.load %arg10[%swap3A, %swap3A_24] : memref<10240x128xf32, #tpu.memory_space<vmem>>, vector<1x128xf32>
      tpu.vector_store %arg10[%swap3A, %swap3A_24], %add3A_23 {strides = array<i32>} : memref<10240x128xf32, #tpu.memory_space<vmem>>, vector<1x128xf32>,
      %get3A_26 = arith.index_cast %get3A_16 : i32 to index
      %get3A_27 = arith.constant 0 : index
      %get3A_28 = vector.load %arg14[%get3A_26, %get3A_27] : memref<10240x16xf32, #tpu.memory_space<vmem>>, vector<1x16xf32>
      %add3A_29 = arith.constant 1.000000e+00 : f32
      %add3A_30 = vector.broadcast %add3A_29 : f32 to vector<1x16xf32>
      %add3A_31 = arith.addf %get3A_28, %add3A_30 : vector<1x16xf32>
      %swap3A_32 = arith.index_cast %get3A_16 : i32 to index
      %swap3A_33 = arith.constant 0 : index
      %swap3A_34 = vector.load %arg14[%swap3A_32, %swap3A_33] : memref<10240x16xf32, #tpu.memory_space<vmem>>, vector<1x16xf32>
      tpu.vector_store %arg14[%swap3A_32, %swap3A_33], %add3A_31 {strides = array<i32>} : memref<10240x16xf32, #tpu.memory_space<vmem>>, vector<1x16xf32>,
      %mul3A_35 = arith.constant 4 : i32
      %mul3A_36 = arith.muli %scan3A_11, %mul3A_35 : i32
      %add3A_37 = arith.constant 1 : i32
      %add3A_38 = arith.addi %mul3A_36, %add3A_37 : i32
      %get3A_39 = arith.constant 0 : index
      %get3A_40 = arith.constant 0 : index
      %get3A_41 = arith.index_cast %add3A_38 : i32 to index
      %get3A_42 = memref.load %arg1[%get3A_39, %get3A_40, %get3A_41] : memref<1x1x2000xi32, #tpu.memory_space<smem>>
      %get3A_43 = arith.index_cast %get3A_42 : i32 to index
      %get3A_44 = arith.constant 0 : index
      %get3A_45 = vector.load %arg11[%get3A_43, %get3A_44] : memref<10240x128xf32, #tpu.memory_space<vmem>>, vector<1x128xf32>
      %get3A_46 = arith.index_cast %add3A_38 : i32 to index
      %get3A_47 = arith.constant 0 : index
      %get3A_48 = vector.load %arg2[%get3A_46, %get3A_47] : memref<2000x128xf32, #tpu.memory_space<vmem>>, vector<1x128xf32>
      %add3A_49 = arith.addf %get3A_45, %get3A_48 : vector<1x128xf32>
      %swap3A_50 = arith.index_cast %get3A_42 : i32 to index
      %swap3A_51 = arith.constant 0 : index
      %swap3A_52 = vector.load %arg11[%swap3A_50, %swap3A_51] : memref<10240x128xf32, #tpu.memory_space<vmem>>, vector<1x128xf32>
      tpu.vector_store %arg11[%swap3A_50, %swap3A_51], %add3A_49 {strides = array<i32>} : memref<10240x128xf32, #tpu.memory_space<vmem>>, vector<1x128xf32>,
      %get3A_53 = arith.index_cast %get3A_42 : i32 to index
      %get3A_54 = arith.constant 0 : index
      %get3A_55 = vector.load %arg14[%get3A_53, %get3A_54] : memref<10240x16xf32, #tpu.memory_space<vmem>>, vector<1x16xf32>
      %add3A_56 = arith.constant 1.000000e+00 : f32
      %add3A_57 = vector.broadcast %add3A_56 : f32 to vector<1x16xf32>
      %add3A_58 = arith.addf %get3A_55, %add3A_57 : vector<1x16xf32>
      %swap3A_59 = arith.index_cast %get3A_42 : i32 to index
      %swap3A_60 = arith.constant 0 : index
      %swap3A_61 = vector.load %arg14[%swap3A_59, %swap3A_60] : memref<10240x16xf32, #tpu.memory_space<vmem>>, vector<1x16xf32>
      tpu.vector_store %arg14[%swap3A_59, %swap3A_60], %add3A_58 {strides = array<i32>} : memref<10240x16xf32, #tpu.memory_space<vmem>>, vector<1x16xf32>,
      %mul3A_62 = arith.constant 4 : i32
      %mul3A_63 = arith.muli %scan3A_11, %mul3A_62 : i32
      %add3A_64 = arith.constant 2 : i32
      %add3A_65 = arith.addi %mul3A_63, %add3A_64 : i32
      %get3A_66 = arith.constant 0 : index
      %get3A_67 = arith.constant 0 : index
      %get3A_68 = arith.index_cast %add3A_65 : i32 to index
      %get3A_69 = memref.load %arg1[%get3A_66, %get3A_67, %get3A_68] : memref<1x1x2000xi32, #tpu.memory_space<smem>>
      %get3A_70 = arith.index_cast %get3A_69 : i32 to index
      %get3A_71 = arith.constant 0 : index
      %get3A_72 = vector.load %arg12[%get3A_70, %get3A_71] : memref<10240x128xf32, #tpu.memory_space<vmem>>, vector<1x128xf32>
      %get3A_73 = arith.index_cast %add3A_65 : i32 to index
      %get3A_74 = arith.constant 0 : index
      %get3A_75 = vector.load %arg2[%get3A_73, %get3A_74] : memref<2000x128xf32, #tpu.memory_space<vmem>>, vector<1x128xf32>
      %add3A_76 = arith.addf %get3A_72, %get3A_75 : vector<1x128xf32>
      %swap3A_77 = arith.index_cast %get3A_69 : i32 to index
      %swap3A_78 = arith.constant 0 : index
      %swap3A_79 = vector.load %arg12[%swap3A_77, %swap3A_78] : memref<10240x128xf32, #tpu.memory_space<vmem>>, vector<1x128xf32>
      tpu.vector_store %arg12[%swap3A_77, %swap3A_78], %add3A_76 {strides = array<i32>} : memref<10240x128xf32, #tpu.memory_space<vmem>>, vector<1x128xf32>,
      %get3A_80 = arith.index_cast %get3A_69 : i32 to index
      %get3A_81 = arith.constant 0 : index
      %get3A_82 = vector.load %arg14[%get3A_80, %get3A_81] : memref<10240x16xf32, #tpu.memory_space<vmem>>, vector<1x16xf32>
      %add3A_83 = arith.constant 1.000000e+00 : f32
      %add3A_84 = vector.broadcast %add3A_83 : f32 to vector<1x16xf32>
      %add3A_85 = arith.addf %get3A_82, %add3A_84 : vector<1x16xf32>
      %swap3A_86 = arith.index_cast %get3A_69 : i32 to index
      %swap3A_87 = arith.constant 0 : index
      %swap3A_88 = vector.load %arg14[%swap3A_86, %swap3A_87] : memref<10240x16xf32, #tpu.memory_space<vmem>>, vector<1x16xf32>
      tpu.vector_store %arg14[%swap3A_86, %swap3A_87], %add3A_85 {strides = array<i32>} : memref<10240x16xf32, #tpu.memory_space<vmem>>, vector<1x16xf32>,
      %mul3A_89 = arith.constant 4 : i32
      %mul3A_90 = arith.muli %scan3A_11, %mul3A_89 : i32
      %add3A_91 = arith.constant 3 : i32
      %add3A_92 = arith.addi %mul3A_90, %add3A_91 : i32
      %get3A_93 = arith.constant 0 : index
      %get3A_94 = arith.constant 0 : index
      %get3A_95 = arith.index_cast %add3A_92 : i32 to index
      %get3A_96 = memref.load %arg1[%get3A_93, %get3A_94, %get3A_95] : memref<1x1x2000xi32, #tpu.memory_space<smem>>
      %get3A_97 = arith.index_cast %get3A_96 : i32 to index
      %get3A_98 = arith.constant 0 : index
      %get3A_99 = vector.load %arg13[%get3A_97, %get3A_98] : memref<10240x128xf32, #tpu.memory_space<vmem>>, vector<1x128xf32>
      %get3A_100 = arith.index_cast %add3A_92 : i32 to index
      %get3A_101 = arith.constant 0 : index
      %get3A_102 = vector.load %arg2[%get3A_100, %get3A_101] : memref<2000x128xf32, #tpu.memory_space<vmem>>, vector<1x128xf32>
      %add3A_103 = arith.addf %get3A_99, %get3A_102 : vector<1x128xf32>
      %swap3A_104 = arith.index_cast %get3A_96 : i32 to index
      %swap3A_105 = arith.constant 0 : index
      %swap3A_106 = vector.load %arg13[%swap3A_104, %swap3A_105] : memref<10240x128xf32, #tpu.memory_space<vmem>>, vector<1x128xf32>
      tpu.vector_store %arg13[%swap3A_104, %swap3A_105], %add3A_103 {strides = array<i32>} : memref<10240x128xf32, #tpu.memory_space<vmem>>, vector<1x128xf32>,
      %get3A_107 = arith.index_cast %get3A_96 : i32 to index
      %get3A_108 = arith.constant 0 : index
      %get3A_109 = vector.load %arg14[%get3A_107, %get3A_108] : memref<10240x16xf32, #tpu.memory_space<vmem>>, vector<1x16xf32>
      %add3A_110 = arith.constant 1.000000e+00 : f32
      %add3A_111 = vector.broadcast %add3A_110 : f32 to vector<1x16xf32>
      %add3A_112 = arith.addf %get3A_109, %add3A_111 : vector<1x16xf32>
      %swap3A_113 = arith.index_cast %get3A_96 : i32 to index
      %swap3A_114 = arith.constant 0 : index
      %swap3A_115 = vector.load %arg14[%swap3A_113, %swap3A_114] : memref<10240x16xf32, #tpu.memory_space<vmem>>, vector<1x16xf32>
      tpu.vector_store %arg14[%swap3A_113, %swap3A_114], %add3A_112 {strides = array<i32>} : memref<10240x16xf32, #tpu.memory_space<vmem>>, vector<1x16xf32>,
    }
    %scan3A_5 = arith.constant 500 : i32
    %eq3A_6 = arith.constant 159 : i32
    %eq3A_7 = arith.cmpi eq, %arg0, %eq3A_6 : i32
    %convert_element_type3A_8 = arith.extui %eq3A_7 : i1 to i32
    %cond3A_9 = arith.constant 0 : i32
    %cond3A_10 = arith.cmpi ne, %convert_element_type3A_8, %cond3A_9 : i32
    scf.if %cond3A_10 {
      %get3A = arith.constant 0 : index
      %get3A_11 = arith.constant 0 : index
      %get3A_12 = vector.load %arg10[%get3A, %get3A_11] : memref<10240x128xf32, #tpu.memory_space<vmem>>, vector<10240x128xf32>
      %get3A_13 = arith.constant 0 : index
      %get3A_14 = arith.constant 0 : index
      %get3A_15 = vector.load %arg11[%get3A_13, %get3A_14] : memref<10240x128xf32, #tpu.memory_space<vmem>>, vector<10240x128xf32>
      %add3A = arith.addf %get3A_12, %get3A_15 : vector<10240x128xf32>
      %get3A_16 = arith.constant 0 : index
      %get3A_17 = arith.constant 0 : index
      %get3A_18 = vector.load %arg12[%get3A_16, %get3A_17] : memref<10240x128xf32, #tpu.memory_space<vmem>>, vector<10240x128xf32>
      %get3A_19 = arith.constant 0 : index
      %get3A_20 = arith.constant 0 : index
      %get3A_21 = vector.load %arg13[%get3A_19, %get3A_20] : memref<10240x128xf32, #tpu.memory_space<vmem>>, vector<10240x128xf32>
      %add3A_22 = arith.addf %get3A_18, %get3A_21 : vector<10240x128xf32>
      %add3A_23 = arith.addf %add3A, %add3A_22 : vector<10240x128xf32>
      %get3A_24 = arith.constant 0 : index
      %get3A_25 = arith.constant 0 : index
      %get3A_26 = vector.load %arg14[%get3A_24, %get3A_25] : memref<10240x16xf32, #tpu.memory_space<vmem>>, vector<10240x1xf32>
      %add3A_27 = arith.constant 9.99999993E-9 : f32
      %add3A_28 = vector.broadcast %add3A_27 : f32 to vector<10240x1xf32>
      %add3A_29 = arith.addf %get3A_26, %add3A_28 : vector<10240x1xf32>
      %div3A = vector.broadcast %add3A_29 : vector<10240x1xf32> to vector<10240x128xf32>
      %div3A_30 = arith.divf %add3A_23, %div3A : vector<10240x128xf32>
      %get3A_31 = arith.constant 0 : index
      %get3A_32 = arith.constant 0 : index
      %get3A_33 = vector.load %arg3[%get3A_31, %get3A_32] : memref<10240x128xf32, #tpu.memory_space<vmem>>, vector<10240x128xf32>
      %get3A_34 = arith.constant 0 : index
      %get3A_35 = arith.constant 0 : index
      %get3A_36 = vector.load %arg4[%get3A_34, %get3A_35] : memref<128x128xf32, #tpu.memory_space<vmem>>, vector<128x128xf32>
      %dot_general3A = arith.constant dense<0.000000e+00> : vector<10240x128xf32>
      %dot_general3A_37 = tpu.matmul %get3A_33, %get3A_36, %dot_general3A {dimension_numbers = #tpu.dot_dimension_numbers<[1], [0], [0], [1], [0, 0, 1, 1], [], []>, transpose_lhs_hint = false} : vector<10240x128xf32>, vector<128x128xf32>, vector<10240x128xf32> -> vector<10240x128xf32>
      %get3A_38 = arith.constant 0 : index
      %get3A_39 = arith.constant 0 : index
      %get3A_40 = vector.load %arg5[%get3A_38, %get3A_39] : memref<128x128xf32, #tpu.memory_space<vmem>>, vector<128x128xf32>
      %dot_general3A_41 = arith.constant dense<0.000000e+00> : vector<10240x128xf32>
      %dot_general3A_42 = tpu.matmul %div3A_30, %get3A_40, %dot_general3A_41 {dimension_numbers = #tpu.dot_dimension_numbers<[1], [0], [0], [1], [0, 0, 1, 1], [], []>, transpose_lhs_hint = false} : vector<10240x128xf32>, vector<128x128xf32>, vector<10240x128xf32> -> vector<10240x128xf32>
      %add3A_43 = arith.addf %dot_general3A_37, %dot_general3A_42 : vector<10240x128xf32>
      %get3A_44 = arith.constant 0 : index
      %get3A_45 = arith.constant 0 : index
      %get3A_46 = vector.load %arg6[%get3A_44, %get3A_45] : memref<1x128xf32, #tpu.memory_space<vmem>>, vector<1x128xf32>
      %add3A_47 = vector.broadcast %get3A_46 : vector<1x128xf32> to vector<10240x128xf32>
      %add3A_48 = arith.addf %add3A_43, %add3A_47 : vector<10240x128xf32>
      %tanh3A = math.tanh %add3A_48 : vector<10240x128xf32>
      %get3A_49 = arith.constant 0 : index
      %get3A_50 = arith.constant 0 : index
      %get3A_51 = vector.load %arg7[%get3A_49, %get3A_50] : memref<128x128xf32, #tpu.memory_space<vmem>>, vector<128x128xf32>
      %dot_general3A_52 = arith.constant dense<0.000000e+00> : vector<10240x128xf32>
      %dot_general3A_53 = tpu.matmul %tanh3A, %get3A_51, %dot_general3A_52 {dimension_numbers = #tpu.dot_dimension_numbers<[1], [0], [0], [1], [0, 0, 1, 1], [], []>, transpose_lhs_hint = false} : vector<10240x128xf32>, vector<128x128xf32>, vector<10240x128xf32> -> vector<10240x128xf32>
      %get3A_54 = arith.constant 0 : index
      %get3A_55 = arith.constant 0 : index
      %get3A_56 = vector.load %arg8[%get3A_54, %get3A_55] : memref<1x128xf32, #tpu.memory_space<vmem>>, vector<1x128xf32>
      %add3A_57 = vector.broadcast %get3A_56 : vector<1x128xf32> to vector<10240x128xf32>
      %add3A_58 = arith.addf %dot_general3A_53, %add3A_57 : vector<10240x128xf32>
      %swap3A = arith.constant 0 : index
      %swap3A_59 = arith.constant 0 : index
      %swap3A_60 = vector.load %arg9[%swap3A, %swap3A_59] : memref<10240x128xf32, #tpu.memory_space<vmem>>, vector<10240x128xf32>
      tpu.vector_store %arg9[%swap3A, %swap3A_59], %add3A_58 {strides = array<i32>} : memref<10240x128xf32, #tpu.memory_space<vmem>>, vector<10240x128xf32>,
    } else {
    }
    return
  }
  func.func @transform_0(%arg0: i32) -> (i32, i32, i32) {
    %c0_i32 = arith.constant 0 : i32
    %c0_i32_0 = arith.constant 0 : i32
    %c0_i32_1 = arith.constant 0 : i32
    return %arg0, %c0_i32, %c0_i32_0 : i32, i32, i32
  }
  func.func @transform_1(%arg0: i32) -> (i32, i32) {
    %c0_i32 = arith.constant 0 : i32
    %c0_i32_0 = arith.constant 0 : i32
    return %arg0, %c0_i32 : i32, i32
  }
  func.func @transform_2(%arg0: i32) -> (i32, i32) {
    %c0_i32 = arith.constant 0 : i32
    %c0_i32_0 = arith.constant 0 : i32
    %c0_i32_1 = arith.constant 0 : i32
    return %c0_i32, %c0_i32_0 : i32, i32
  }
  func.func @transform_3(%arg0: i32) -> (i32, i32) {
    %c0_i32 = arith.constant 0 : i32
    %c0_i32_0 = arith.constant 0 : i32
    %c0_i32_1 = arith.constant 0 : i32
    return %c0_i32, %c0_i32_0 : i32, i32
  }
  func.func @transform_4(%arg0: i32) -> (i32, i32) {
    %c0_i32 = arith.constant 0 : i32
    %c0_i32_0 = arith.constant 0 : i32
    %c0_i32_1 = arith.constant 0 : i32
    return %c0_i32, %c0_i32_0 : i32, i32
  }
  func.func @transform_5(%arg0: i32) -> (i32, i32) {
    %c0_i32 = arith.constant 0 : i32
    %c0_i32_0 = arith.constant 0 : i32
    %c0_i32_1 = arith.constant 0 : i32
    return %c0_i32, %c0_i32_0 : i32, i32
  }
  func.func @transform_6(%arg0: i32) -> (i32, i32) {
    %c0_i32 = arith.constant 0 : i32
    %c0_i32_0 = arith.constant 0 : i32
    %c0_i32_1 = arith.constant 0 : i32
    return %c0_i32, %c0_i32_0 : i32, i32
  }
  func.func @transform_7(%arg0: i32) -> (i32, i32) {
    %c0_i32 = arith.constant 0 : i32
    %c0_i32_0 = arith.constant 0 : i32
    %c0_i32_1 = arith.constant 0 : i32
    return %c0_i32, %c0_i32_0 : i32, i32
  }
  func.func @transform_8(%arg0: i32) -> (i32, i32) {
    %c0_i32 = arith.constant 0 : i32
    %c0_i32_0 = arith.constant 0 : i32
    %c0_i32_1 = arith.constant 0 : i32
    return %c0_i32, %c0_i32_0 : i32, i32
  }
}

</mosaic_0001>

<sc_bundles>
// kernel: kernel.4.cloned.1.call-start
scs
__scs_entry_jumppad:
0x0: {  	(pc) =	sbr.rel $0x88, $3  }
0x1: {  	(tag) =	ssettag $0x0;
	lr =	simm.s32 $0x1  }
0x2: {  	[smem:$0x3F9A] =	sst lr;
	_ =	strace $0xD0000000  }
0x3: {  	_ = 	snop  }
0x4: {  	_ = 	snop  }
0x5: {  	_ = 	snop  }
0x6: {  	_ = 	snop  }
0x7: {  	_ = 	snop  }
__scs_overlays_trampoline_lowered:
0x8: {  	[smem:$0x3FA9] =	sst s0  }
0x9: {  	[smem:$0x3FAA] =	sst s1  }
0xa: {  	[smem:$0x3FAB] =	sst s2  }
0xb: {  	[smem:$0x3FAC] =	sst s3  }
0xc: {  	[smem:$0x3FAD] =	sst s4  }
0xd: {  	[smem:$0x3FAE] =	sst s5  }
0xe: {  	[smem:$0x3FAF] =	sst s6  }
0xf: {  	[smem:$0x3FB0] =	sst s7  }
0x10: {  	[smem:$0x3FB1] =	sst s8  }
0x11: {  	[smem:$0x3FB2] =	sst s9;
	s0 =	simm.s32 @!p0 $0x0  }
0x12: {  	s1 =	sld [smem:$0x3F98];
	s0 =	simm.s32 @p0 $0x1  }
0x13: {  	[smem:$0x3FB3] =	sst s0;
	s0 =	simm.s32 @!p1 $0x0  }
0x14: {  	s2 =	sld [smem:$0x3F97];
	s0 =	simm.s32 @p1 $0x1  }
0x15: {  	[smem:$0x3FB4] =	sst s0;
	s0 =	simm.s32 @!p2 $0x0  }
0x16: {  	s3 =	sld [smem:$0x3FDB];
	s0 =	simm.s32 @p2 $0x1  }
0x17: {  	s4 =	simm.s32 $0x1BF5;
	[smem:$0x3FB6] =	sst s0  }
0x18: {  	s0 =	sld [smem:$0x3F99];
	_ =	swait.ge [sflag:s4], $0x0  }
0x19: {  	s7 =	sld [smem:$0x3F9A]  }
0x1a: {  	s8 =	sadd.s32 $0xFFFFE003, lr  }
0x1b: {  	s9 =	sadd.s32 $0xFFFFFEF7, lr;
	s5 =	simm.s32 $0xFFFFFFFF;
	p2 =	slt.u32 s8, $0xFFFFF086  }
0x1c: {  	p1 =	slt.u32 s9, $0xF7A;
	s5 =	simm.s32 @!p2 $0x0  }
0x1d: {  	s5 =	simm.s32 @p1 $0x1;
	p0 =	seq.s32 s7, s2  }
0x1e: {  	s7 =	smul.u32 @!p0 $0xF7A, s2;
	p2 =	seq.s32 @!p0 s5, $0x0  }
0x1f: {  	s9 =	smul.u32 $0xF7A, s1;
	s8 =	simm.s32 @!p0 $0x1BF5;
	p2 =	por !p2, p0  }
0x20: {  	[sflag:s8] =	ssyncset.s32 @!p0 $0xFFFFF086;
	s6 =	sadd.s32 @!p0 s3, s7;
	s7 =	simm.s32 @!p0 $0x108  }
0x21: {  	s3 =	sadd.s32 s3, s9;
	s6 =	sadd.s32 @!p0 $0x88, s6;
	s7 =	simm.s32 @p2 $0x1082  }
0x22: {  	[simem:s7], [sflag:s8] =	dma.local @!p0 [hbm:s6], $0xF7A  }
0x23: {  	s9 =	sor.u32 $0xD0000000, s2;
	s6 =	simm.s32 $0x108;
	_ =	swait.ge @!p0 [sflag:s8], $0x0  }
0x24: {  	s3 =	sadd.s32 $0x88, s3;
	s6 =	simm.s32 @!p1 $0x1082;
	[sflag:s4] =	ssyncset.s32 $0xFFFFF086  }
0x25: {  	[simem:s6], [sflag:s4] =	dma.local [hbm:s3], $0xF7A  }
0x26: {  	[smem:$0x3F9A] =	sst s1;
	(tag) =	ssettag s2;
	_ =	strace s9  }
0x27: {  	s1 =	sld [smem:$0x3FAA]  }
0x28: {  	s2 =	sld [smem:$0x3FAB]  }
0x29: {  	s4 =	sld [smem:$0x3FAD]  }
0x2a: {  	p0 =	seq.s32 s5, $0x0;
	s5 =	sld [smem:$0x3FAE]  }
0x2b: {  	s6 =	sld [smem:$0x3FAF]  }
0x2c: {  	s7 =	sld [smem:$0x3FB0]  }
0x2d: {  	s3 =	simm.s32 $0x108;
	s8 =	sld [smem:$0x3FB1]  }
0x2e: {  	s3 =	simm.s32 @!p0 $0x1082;
	s9 =	sld [smem:$0x3FB2]  }
0x2f: {  	lr =	sadd.s32 s0, s3;
	s0 =	sld [smem:$0x3FA9]  }
0x30: {  	s3 =	sld [smem:$0x3FAC]  }
0x31: {  	[smem:$0x3FB5] =	sst s10  }
0x32: {  	s10 =	sld [smem:$0x3FB3];
	_ =	sdelay $0x3  }
0x33: {  	p0 =	seq.s32 s10, $0x1;
	s10 =	sld [smem:$0x3FB5];
	_ =	sdelay $0x3  }
0x34: {  	[smem:$0x3FB5] =	sst s10  }
0x35: {  	s10 =	sld [smem:$0x3FB4];
	_ =	sdelay $0x3  }
0x36: {  	p1 =	seq.s32 s10, $0x1;
	s10 =	sld [smem:$0x3FB5];
	_ =	sdelay $0x3  }
0x37: {  	[smem:$0x3FB5] =	sst s10  }
0x38: {  	s10 =	sld [smem:$0x3FB6]  }
0x39: {  	_ = 	snop;
	(pc) =	sbr.ind lr, $3  }
0x3a: {  	_ = 	snop  }
0x3b: {  	_ = 	snop  }
0x3c: {  	p2 =	seq.s32 s10, $0x1;
	s10 =	sld [smem:$0x3FB5]  }
0x3d: {  	_ =	shalt  }
0x3e: {  	_ =	shalt  }
0x3f: {  	_ =	shalt  }
0x40: {  	_ =	shalt  }
0x41: {  	_ =	shalt  }
0x42: {  	_ =	shalt  }
0x43: {  	_ =	shalt  }
0x44: {  	_ =	shalt  }
0x45: {  	_ =	shalt  }
0x46: {  	_ =	shalt  }
0x47: {  	_ =	shalt  }
0x48: {  	_ =	shalt  }
0x49: {  	_ =	shalt  }
0x4a: {  	_ =	shalt  }
0x4b: {  	_ =	shalt  }
0x4c: {  	_ =	shalt  }
0x4d: {  	_ =	shalt  }
0x4e: {  	_ =	shalt  }
0x4f: {  	_ =	shalt  }
0x50: {  	_ =	shalt  }
0x51: {  	_ =	shalt  }
0x52: {  	_ =	shalt  }
0x53: {  	_ =	shalt  }
0x54: {  	_ =	shalt  }
0x55: {  	_ =	shalt  }
0x56: {  	_ =	shalt  }
0x57: {  	_ =	shalt  }
0x58: {  	_ =	shalt  }
0x59: {  	_ =	shalt  }
0x5a: {  	_ =	shalt  }
0x5b: {  	_ =	shalt  }
0x5c: {  	_ =	shalt  }
0x5d: {  	_ =	shalt  }
0x5e: {  	_ =	shalt  }
0x5f: {  	_ =	shalt  }
0x60: {  	_ =	shalt  }
0x61: {  	_ =	shalt  }
0x62: {  	_ =	shalt  }
0x63: {  	_ =	shalt  }
0x64: {  	_ =	shalt  }
0x65: {  	_ =	shalt  }
0x66: {  	_ =	shalt  }
0x67: {  	_ =	shalt  }
0x68: {  	_ =	shalt  }
0x69: {  	_ =	shalt  }
0x6a: {  	_ =	shalt  }
0x6b: {  	_ =	shalt  }
0x6c: {  	_ =	shalt  }
0x6d: {  	_ =	shalt  }
0x6e: {  	_ =	shalt  }
0x6f: {  	_ =	shalt  }
0x70: {  	_ =	shalt  }
0x71: {  	_ =	shalt  }
0x72: {  	_ =	shalt  }
0x73: {  	_ =	shalt  }
0x74: {  	_ =	shalt  }
0x75: {  	_ =	shalt  }
0x76: {  	_ =	shalt  }
0x77: {  	_ =	shalt  }
0x78: {  	_ =	shalt  }
0x79: {  	_ =	shalt  }
0x7a: {  	_ =	shalt  }
0x7b: {  	_ =	shalt  }
0x7c: {  	_ =	shalt  }
0x7d: {  	_ =	shalt  }
0x7e: {  	_ =	shalt  }
0x7f: {  	_ =	shalt  }
0x80: {  	_ =	shalt  }
0x81: {  	_ =	shalt  }
0x82: {  	_ =	shalt  }
0x83: {  	_ =	shalt  }
0x84: {  	_ =	shalt  }
0x85: {  	_ =	shalt  }
0x86: {  	_ =	shalt  }
0x87: {  	_ =	shalt  }
.Lfunc_end0:
.L_simem_size_0:
called_computation_lowered:
.L_overlay_start_0:
0x88: {  	s2 =	sld [smem:$0x3FD9]  }
0x89: {  	s3 =	sld [smem:$0x3FFE];
	_ =	sdelay $0x1  }
0x8a: {  	s1 =	srdreg.scid  }
0x8b: {  	s0 =	sand.u32 $0x1, s1  }
0x8c: {  	s17 =	sshll.u32 s0, $0xA;
	s2 =	sadd.s32 s3, s2  }
0x8d: {  	s2 =	sadd.s32 s2, s17  }
0x8e: {  	[smem:$0x3FC1] =	sst s2  }
0x8f: {  	_ = 	snop  }
0x90: {  	s2 =	sld [smem:$0x3FC8]  }
0x91: {  	s18 =	sld [smem:$0x3FD0];
	(tm) =	ssettm $0x1  }
0x92: {  	s4 =	sld [smem:$0x3FFB];
	_ =	sdelay $0x3  }
0x93: {  	_ =	strace s4  }
0x94: {  	s4 =	sld [smem:$0x3FFC];
	_ =	sdelay $0x3  }
0x95: {  	_ =	strace s4  }
0x96: {  	s4 =	sld [smem:$0x3FFD];
	_ =	sdelay $0x3  }
0x97: {  	_ =	strace s4  }
0x98: {  	_ =	strace $0x8FFFFFFF  }
0x99: {  	s19 =	sld [smem:$0x3FDB];
	_ =	sdelay $0x1  }
0x9a: {  	s5 =	simm.s32 $_scs_section_size  }
0x9b: {  	s6 =	simm.s32 $_size__tile_overlayer_lowered;
	s7 =	simm.s32 $_tile_overlayer_lowered  }
0x9c: {  	s22 =	simm.s32 $0x1BFF;
	s21 =	sshll.u32 s7, $0x1;
	s4 =	sadd.s32 s5, s19  }
0x9d: {  	s8 =	simm.s32 $0x0;
	s20 =	sshll.u32 s6, $0x1;
	s6 =	sadd.s32 s21, s4  }
0x9e: {  	[timem:s8], [sflag:s22] =	dma.local [hbm:s6], s20  }
0x9f: {  	_ =	swait.ge [sflag:s22], s20  }
0xa0: {  	s5 =	ssub.s32 $0x0, s20;
	[sflag:s22] =	ssyncset.done $0x0  }
0xa1: {  	[sflag:s22] =	ssyncadd.s32 s5;
	_ =	sdelay $0x1  }
0xa2: {  	s23 =	simm.s32 $0x1B8B  }
0xa3: {  	_ =	swait.ge [sflag:s23], $0x1  }
0xa4: {  	[sflag:s23] =	ssyncset.done $0x0  }
0xa5: {  	s25 =	simm.s32 $0x1B8E;
	s24 =	sld [smem:$0x3FFE];
	[sflag:s23] =	ssyncadd.s32 $0xFFFFFFFF  }
0xa6: {  	s26 =	simm.s32 $execute0_lowered;
	[smem:$0x3FD2] =	sst s25  }
0xa7: {  	s6 =	sshll.u32 s26, $0x1;
	_ =	strace $0x80000046;
	[dreg:$0x1] =	wrdreg $0xFFFFFFFF  }
0xa8: {  	s28 =	simm.s32 $_size_execute0_lowered;
	s4 =	sadd.s32 s4, s6;
	[dreg:$0x0] =	wrdreg $0x0  }
0xa9: {  	s6 =	sshll.u32 s28, $0x1;
	[dreg:$0x2] =	wrdreg s4  }
0xaa: {  	[dreg:$0x3] =	wrdreg s6  }
0xab: {  	[dreg:$0x4] =	wrdreg $0xC0  }
0xac: {  	_ =	task [dreg:s8], $0x5FFFF  }
0xad: {  	[dreg:$0x1] =	wrdreg $0xFFFFFFFF  }
0xae: {  	[dreg:$0x0] =	wrdreg $0x60  }
0xaf: {  	[dreg:$0x2] =	wrdreg s2  }
0xb0: {  	[dreg:$0x3] =	wrdreg s18  }
0xb1: {  	[dreg:$0x4] =	wrdreg s24  }
0xb2: {  	[dreg:$0x5] =	wrdreg $0x9  }
0xb3: {  	_ =	task.clear_ibuf [dreg:s8], $0x6FFFF;
	_ =	strace $0x90000046  }
0xb4: {  	s29 =	simm.s32 $0x9;
	_ =	strace $0x80000048  }
0xb5: {  	_ =	swait.ge [sflag:s29], $0x1  }
0xb6: {  	[sflag:s29] =	ssyncadd.s32 $0xFFFFFFFF  }
0xb7: {  	_ =	strace $0x90000048  }
0xb8: {  	_ =	sfence  }
0xb9: {  	s30 =	sld [smem:$0x0];
	_ =	sdelay $0x2  }
0xba: {  	s31 =	sshll.u32 s1, $0xD;
	s1 =	sshrl.u32 s1, $0x2  }
0xbb: {  	s3 =	sand.u32 $0x4000, s31;
	s1 =	sadd.s32 s1, s30  }
0xbc: {  	s0 =	sor.u32 s3, s0;
	s1 =	sshll.u32 s1, $0x11  }
0xbd: {  	s0 =	sor.u32 s1, s0  }
0xbe: {  	s0 =	sadd.s32 $0x8F2B, s0  }
0xbf: {  	[sflag:s0] =	ssyncadd.remote.s32 $0x1  }
0xc0: {  	_ =	sfence.sel $0xFFFF  }
0xc1: {  	[dreg:$0x0] =	wrdreg $0xFFFFFFFF;
	(pc) =	sbr.abs _section_cstart, $3  }
0xc2: {  	[dreg:$0x1] =	wrdreg $0xFFFFFFFF  }
0xc3: {  	_ =	task.clear_ibuf [dreg:s8], $0x2FFFF;
	_ =	strace $0x9FFFFFFF  }
0xc4: {  	(tm) =	ssettm $0x7FFFFFFF  }
0xc5: {  	_ =	shalt  }
tec
execute0_lowered:
.L_overlay_start_1:
0x0: {  	(tag) =	ssettag $0x1  }
0x1: {  	s1 =	rddreg [dreg:$0x0]  }
0x2: {  	s5 =	rddreg [dreg:$0x1]  }
0x3: {  	s4 =	rddreg [dreg:$0x2]  }
0x4: {  	s0 =	rddreg [dreg:$0x3];
	s3 =	simm.s32 $0x0;
	s6 =	srdreg.scid  }
0x5: {  	s2 =	stileid.u32;
	[smem:$0x7FF] =	sst s3;
	s6 =	sand.u32 $0x1, s6  }
0x6: {  	s7 =	sshll.u32 s2, $0xC;
	s31 =	sshll.u32 s2, $0x5;
	_ =	strace $0x80000047  }
0x7: {  	s8 =	ssub.s32 $0x2, s6;
	s4 =	sadd.s32 s7, s4;
	s9 =	sshll.u32 s6, $0xB  }
0x8: {  	s10 =	sshll.u32 s6, $0x4;
	s29 =	sshrl.u32 s8, $0x1;
	s30 =	sadd.s32 s9, s4  }
0x9: {  	s4 =	sshll.u32 s2, $0x1;
	s9 =	sadd.s32 s31, s5;
	s7 =	ssub.s32 s8, s29  }
0xa: {  	s6 =	sadd.s32 $0xA600, s30;
	s5 =	smax.u32 s7, $0x1;
	s7 =	sadd.s32 s10, s9  }
.LBB2_1:
0xb: {  	s8 =	sadd.s32 $0x0, s4  }
0xc: {  	p0 =	sgt.u32 s8, $0x9C3  }
0xd: {  	s8 =	simm.s32 @!p0 $0x0;
	s9 =	simm.s32 @!p0 $0x3  }
0xe: {  	[tilespmem:s8], [sflag:$0x3] =	stream.linear.gather @!p0 [hbm4b:s7+s8], $0x80, $0x38;
	[tilespmem:$0x4080] =	vst v63  }
0xf: {  	_ =	swait.ge @!p0 [sflag:s9], $0x80  }
0x10: {  	[sflag:s9] =	ssyncset.done @!p0 $0x0;
	p0 =	por p0, p0  }
0x11: {  	[sflag:s9] =	ssyncadd.s32 @!p0 $0xFFFFFF80;
	s10 =	simm.s32 @!p0 $0x80;
	s11 =	simm.s32 @!p0 $0x1  }
0x12: {  	[tilespmem:s10], [sflag:$0x1] =	stream.indirect.gather @!p0 [hbm4b:s1+s10], $0x80, s8, s10, $0xb8;
	[tilespmem:$0x4080] =	vst v63  }
0x13: {  	_ =	swait.ge @!p0 [sflag:s11], $0x4000  }
0x14: {  	[sflag:s11] =	ssyncset.done @!p0 $0x0  }
0x15: {  	s31 =	sadd.s32 $0x20, s4;
	[sflag:s11] =	ssyncadd.s32 @!p0 $0xFFFFC000;
	s11 =	simm.s32 @!p0 $0x2  }
0x16: {  	[hbm4b:s6+s8] =	stream.linear.scatter @!p0 [tilespmem:s10], [sflag:$0x2], $0x4000, $0x38;
	[tilespmem:$0x4080] =	vst v63  }
0x17: {  	p1 =	sgt.u32 s31, $0x9C3;
	s9 =	simm.s32 $0x40;
	_ =	swait.ge @!p0 [sflag:s11], $0x4000  }
0x18: {  	s10 =	sadd.s32 $0x200, s7;
	s8 =	sadd.s32 $0x10000, s6;
	[sflag:s11] =	ssyncset.done @!p0 $0x0  }
.LBB2_2:
0x19: {  	s12 =	simm.s32 @!p1 $0x0;
	s13 =	simm.s32 @!p1 $0x3;
	[sflag:s11] =	ssyncadd.s32 @!p0 $0xFFFFC000  }
0x1a: {  	[tilespmem:s12], [sflag:$0x3] =	stream.linear.gather @!p1 [hbm4b:s10+s12], $0x80, $0x38;
	[tilespmem:$0x4080] =	vst v63  }
0x1b: {  	s14 =	smov.u32 s9;
	s9 =	sadd.s32 $0x20, s9;
	_ =	swait.ge @!p1 [sflag:s13], $0x80  }
0x1c: {  	p0 =	por p1, p1;
	p2 =	sne.s32 s9, $0x9E0;
	[sflag:s13] =	ssyncset.done @!p1 $0x0  }
0x1d: {  	s11 =	simm.s32 @!p0 $0x1;
	[sflag:s13] =	ssyncadd.s32 @!p0 $0xFFFFFF80;
	s13 =	simm.s32 @!p0 $0x80  }
0x1e: {  	[tilespmem:s13], [sflag:$0x1] =	stream.indirect.gather @!p0 [hbm4b:s1+s13], $0x80, s12, s13, $0xb8;
	[tilespmem:$0x4080] =	vst v63  }
0x1f: {  	_ =	swait.ge @!p0 [sflag:s11], $0x4000  }
.Ltmp0:
0x20: {  	[sflag:s11] =	ssyncset.done @!p0 $0x0;
	(pc) =	sbr.rel @p2 .LBB2_2-.Ltmp0, $4  }
0x21: {  	[sflag:s11] =	ssyncadd.s32 @!p0 $0xFFFFC000;
	s11 =	simm.s32 @!p0 $0x2  }
0x22: {  	[hbm4b:s8+s12] =	stream.linear.scatter @!p0 [tilespmem:s13], [sflag:$0x2], $0x4000, $0x38;
	[tilespmem:$0x4080] =	vst v63  }
0x23: {  	s10 =	sadd.s32 $0x200, s10;
	s12 =	sadd.s32 s14, s4;
	_ =	swait.ge @!p0 [sflag:s11], $0x4000  }
0x24: {  	s8 =	sadd.s32 $0x10000, s8;
	p1 =	sgt.u32 s12, $0x9C3;
	[sflag:s11] =	ssyncset.done @!p0 $0x0  }
0x25: {  	s9 =	simm.s32 @!p1 $0x0;
	s12 =	simm.s32 @!p1 $0x3;
	[sflag:s11] =	ssyncadd.s32 @!p0 $0xFFFFC000  }
0x26: {  	[tilespmem:s9], [sflag:$0x3] =	stream.linear.gather @!p1 [hbm4b:s10+s9], $0x80, $0x38;
	[tilespmem:$0x4080] =	vst v63  }
0x27: {  	_ =	swait.ge @!p1 [sflag:s12], $0x80  }
0x28: {  	p0 =	por p1, p1;
	[sflag:s12] =	ssyncset.done @!p1 $0x0  }
0x29: {  	s10 =	simm.s32 @!p0 $0x80;
	s11 =	simm.s32 @!p0 $0x1;
	[sflag:s12] =	ssyncadd.s32 @!p0 $0xFFFFFF80  }
0x2a: {  	[tilespmem:s10], [sflag:$0x1] =	stream.indirect.gather @!p0 [hbm4b:s1+s10], $0x80, s9, s10, $0xb8;
	[tilespmem:$0x4080] =	vst v63  }
0x2b: {  	s3 =	sadd.s32 $0x1, s3;
	_ =	swait.ge @!p0 [sflag:s11], $0x4000  }
0x2c: {  	p1 =	sne.s32 s3, s5;
	[sflag:s11] =	ssyncset.done @!p0 $0x0  }
.Ltmp1:
0x2d: {  	[sflag:s11] =	ssyncadd.s32 @!p0 $0xFFFFC000;
	s11 =	simm.s32 @!p0 $0x2;
	(pc) =	sbr.rel @p1 .LBB2_1-.Ltmp1, $4  }
0x2e: {  	[hbm4b:s8+s9] =	stream.linear.scatter @!p0 [tilespmem:s10], [sflag:$0x2], $0x4000, $0x38;
	[tilespmem:$0x4080] =	vst v63  }
0x2f: {  	_ =	swait.ge @!p0 [sflag:s11], $0x4000  }
0x30: {  	[sflag:s11] =	ssyncset.done @!p0 $0x0  }
0x31: {  	[sflag:s11] =	ssyncadd.s32 @!p0 $0xFFFFC000  }
0x32: {  	_ =	sfence.sel $0x180000  }
0x33: {  	[bflag:$0x0] =	sbarrier.arrive $0xFFFF  }
0x34: {  	p0 =	sne.s32 s2, $0x0;
	_ =	strace $0x90000047  }
0x35: {  	s0 =	sadd.s32 @!p0 $0x100000, s0;
	[bflag:$0x2] =	sbarrier.arrive $0xFFFF  }
0x36: {  	[sflag:s0] =	ssyncadd.tile.s32 @!p0 $0x1;
	_ =	shalt  }
.Lfunc_end2:
_tile_overlayer_lowered:
.L_overlay_start_2:
0x37: {  	(tag) =	ssettag $0x2  }
0x38: {  	s0 =	rddreg [dreg:$0x0];
	s2 =	stileid.u32  }
0x39: {  	s1 =	rddreg [dreg:$0x1];
	p0 =	sne.s32 s2, $0x0  }
0x3a: {  	s3 =	rddreg [dreg:$0x2];
	[bflag:$0x3] =	sbarrier.arrive $0xFFFF;
	s2 =	simm.s32 @!p0 $0x1C02  }
0x3b: {  	[timem:s3], [sflag:s2] =	dma.local @!p0 [hbm:s0], s1  }
0x3c: {  	s0 =	simm.s32 @!p0 $0x2  }
0x3d: {  	_ =	swait.ge @!p0 [sflag:s0], s1  }
0x3e: {  	s1 =	ssub.s32 @!p0 $0x0, s1;
	[sflag:s0] =	ssyncset.done @!p0 $0x0  }
0x3f: {  	[sflag:s0] =	ssyncadd.s32 @!p0 s1  }
0x40: {  	[bflag:$0x3] =	sbarrier.arrive $0xFFFF  }
0x41: {  	_ =	shalt  }

</sc_bundles>
